<compile_context>
chip_gen: v7x
topology: tpu7x:2x2x1
jax: 0.10.2.dev20260603
libtpu: 0.0.44.dev20260713+nightly
codegen_flags: <defaults>
</compile_context>

<pallas_src>
import functools

import jax
import jax.numpy as jnp
from jax import lax
from jax.experimental import pallas as pl
from jax.experimental.pallas import tpu as pltpu
from jax.experimental.pallas import tpu_sc as plsc

EMBED_DIM = 64
NUM_CORES = 2
NUM_SUBCORES = 16
NUM_WORKERS = NUM_CORES * NUM_SUBCORES
CHUNK = 128
NBUF = 4
ROW = 128


def _lookup(ids_flat, w_all):
    n = ids_flat.shape[0]
    per_w = n // NUM_WORKERS
    n_chunks = per_w // CHUNK
    rounds = n_chunks // NBUF
    assert per_w * NUM_WORKERS == n and rounds * NBUF == n_chunks

    mesh = plsc.VectorSubcoreMesh(core_axis_name="c", subcore_axis_name="s")

    scratch = []
    for _ in range(NBUF):
        scratch += [
            pltpu.VMEM((CHUNK,), jnp.int32),
            pltpu.VMEM((CHUNK, ROW), jnp.float32),
            pltpu.SemaphoreType.DMA,
            pltpu.SemaphoreType.DMA,
            pltpu.SemaphoreType.DMA,
        ]

    @functools.partial(
        pl.kernel,
        out_type=jax.ShapeDtypeStruct((n, ROW), jnp.float32),
        mesh=mesh,
        compiler_params=pltpu.CompilerParams(needs_layout_passes=False),
        scratch_types=scratch,
    )
    def body(ids_hbm, w_hbm, out_hbm, *bufs):
        wid = lax.axis_index("s") * NUM_CORES + lax.axis_index("c")
        base = wid * per_w

        def slot(b):
            return bufs[b * 5:(b + 1) * 5]

        def fire_ids(b, c):
            ids_v, _, sem_ids, _, _ = slot(b)
            pltpu.async_copy(
                ids_hbm.at[pl.ds(base + c * CHUNK, CHUNK)], ids_v, sem_ids)

        def wait_ids_fire_gather(b, c):
            ids_v, rows, sem_ids, sem_g, _ = slot(b)
            pltpu.make_async_copy(
                ids_hbm.at[pl.ds(base + c * CHUNK, CHUNK)], ids_v,
                sem_ids).wait()
            pltpu.async_copy(w_hbm.at[ids_v], rows, sem_g)

        def wait_gather(b):
            ids_v, rows, _, sem_g, _ = slot(b)
            pltpu.make_async_copy(w_hbm.at[ids_v], rows, sem_g).wait()

        def fire_out(b, c):
            _, rows, _, _, sem_o = slot(b)
            pltpu.async_copy(
                rows, out_hbm.at[pl.ds(base + c * CHUNK, CHUNK)], sem_o)

        def wait_out(b, c):
            _, rows, _, _, sem_o = slot(b)
            pltpu.make_async_copy(
                rows, out_hbm.at[pl.ds(base + c * CHUNK, CHUNK)], sem_o).wait()

        LOOK = NBUF // 2
        for b in range(NBUF):
            fire_ids(b, b)
        for b in range(LOOK):
            wait_ids_fire_gather(b, b)

        def round_body(r, carry):
            for b in range(NBUF):
                c = r * NBUF + b
                wait_gather(b)
                fire_out(b, c)

                @pl.when(c + NBUF < n_chunks)
                def _():
                    fire_ids(b, c + NBUF)

                b4 = (b + LOOK) % NBUF
                c4 = c + LOOK

                @pl.when(c4 >= NBUF)
                def _():
                    wait_out(b4, c4 - NBUF)

                @pl.when(c4 < n_chunks)
                def _():
                    wait_ids_fire_gather(b4, c4)
            return carry

        lax.fori_loop(0, rounds, round_body, 0)
        for c in range(n_chunks - LOOK, n_chunks):
            wait_out(c % NBUF, c)

    return body(ids_flat, w_all)


def kernel(input_ids, W_frozen, W_trainable):
    w_all = jnp.concatenate([W_frozen, W_trainable], axis=0)
    w_all = jnp.pad(w_all, ((0, 0), (0, ROW - EMBED_DIM)))
    ids_flat = input_ids.reshape(-1)
    out = _lookup(ids_flat, w_all)
    return out[:, :EMBED_DIM].reshape(input_ids.shape + (EMBED_DIM,))

# --- scband reference (transcript-rebuilt; emitter-appended) ---
"""Pipeline reference for scband-partially-frozen-embedding-67207648248207 (READ-ONLY COPY).

The authoritative reference and input builder live on the scoring server;
editing this copy changes nothing except your own understanding.
"""

import jax, jax.numpy as jnp
import numpy as np

VOCAB = 1000000
FREEZE_UNTIL = 500000
EMBED_DIM = 64
BATCH = 4096
SEQ = 200


def setup_inputs(seed: int = 0) -> dict:
    key = jax.random.key(seed)
    k1, k2, k3 = jax.random.split(key, 3)
    input_ids = jax.random.randint(k1, (BATCH, SEQ), 0, VOCAB, dtype=jnp.int32)
    W_frozen = jax.random.normal(k2, (FREEZE_UNTIL, EMBED_DIM), dtype=jnp.float32) * 0.02
    W_trainable = jax.random.normal(k3, (VOCAB - FREEZE_UNTIL, EMBED_DIM), dtype=jnp.float32) * 0.02
    return {"input_ids": input_ids, "W_frozen": W_frozen, "W_trainable": W_trainable}


def reference(input_ids, W_frozen, W_trainable):
    # mask_frozen = input_ids < freeze_until_idx
    mask_frozen = input_ids < FREEZE_UNTIL
    # Clamp ids into valid ranges for each sub-table; masked-out lanes are
    # overwritten by the jnp.where select, matching the torch masked writes.
    frozen_ids = jnp.where(mask_frozen, input_ids, 0)
    trainable_ids = jnp.where(mask_frozen, 0, input_ids - FREEZE_UNTIL)
    frozen_emb = jnp.take(W_frozen, frozen_ids, axis=0)
    trainable_emb = jnp.take(W_trainable, trainable_ids, axis=0)
    embeddings = jnp.where(mask_frozen[..., None], frozen_emb, trainable_emb)
    return embeddings

if __name__ == "__main__":
    import jax
    _d = setup_inputs()
    print(jax.jit(kernel)(*tuple(_d.values())))

</pallas_src>

<mosaic_0001>
#map = affine_map<(d0, d1) -> (0)>
#map1 = affine_map<(d0, d1) -> (0, 0)>
module attributes {stable_mosaic.version = 14 : i64} {
  func.func @body(%arg0: i32, %arg1: i32, %arg2: memref<819200xi32, #tpu.memory_space<hbm>>, %arg3: memref<1000000x128xf32, #tpu.memory_space<hbm>>, %arg4: memref<819200x128xf32, #tpu.memory_space<hbm>>, %arg5: memref<128xi32, #tpu.memory_space<vmem>>, %arg6: memref<128x128xf32, #tpu.memory_space<vmem>>, %arg7: memref<!tpu.dma_semaphore, #tpu.memory_space<semaphore_mem>>, %arg8: memref<!tpu.dma_semaphore, #tpu.memory_space<semaphore_mem>>, %arg9: memref<!tpu.dma_semaphore, #tpu.memory_space<semaphore_mem>>, %arg10: memref<128xi32, #tpu.memory_space<vmem>>, %arg11: memref<128x128xf32, #tpu.memory_space<vmem>>, %arg12: memref<!tpu.dma_semaphore, #tpu.memory_space<semaphore_mem>>, %arg13: memref<!tpu.dma_semaphore, #tpu.memory_space<semaphore_mem>>, %arg14: memref<!tpu.dma_semaphore, #tpu.memory_space<semaphore_mem>>, %arg15: memref<128xi32, #tpu.memory_space<vmem>>, %arg16: memref<128x128xf32, #tpu.memory_space<vmem>>, %arg17: memref<!tpu.dma_semaphore, #tpu.memory_space<semaphore_mem>>, %arg18: memref<!tpu.dma_semaphore, #tpu.memory_space<semaphore_mem>>, %arg19: memref<!tpu.dma_semaphore, #tpu.memory_space<semaphore_mem>>, %arg20: memref<128xi32, #tpu.memory_space<vmem>>, %arg21: memref<128x128xf32, #tpu.memory_space<vmem>>, %arg22: memref<!tpu.dma_semaphore, #tpu.memory_space<semaphore_mem>>, %arg23: memref<!tpu.dma_semaphore, #tpu.memory_space<semaphore_mem>>, %arg24: memref<!tpu.dma_semaphore, #tpu.memory_space<semaphore_mem>>) attributes {dimension_semantics = [#tpu.dimension_semantics<core_parallel>, #tpu.dimension_semantics<subcore_parallel>], iteration_bounds = array<i64: 2, 16>, scalar_prefetch = 0 : i64, scratch_operands = 20 : i64, tpu.core_type = #tpu.core_type<sc_vector_subcore>, window_params = [{transform_indices = #map}, {transform_indices = #map1}, {transform_indices = #map1}]} {
    %mul3A = arith.constant 2 : i32
    %mul3A_0 = arith.muli %arg1, %mul3A : i32
    %add3A = arith.addi %mul3A_0, %arg0 : i32
    %mul3A_1 = arith.constant 25600 : i32
    %mul3A_2 = arith.muli %add3A, %mul3A_1 : i32
    %add3A_3 = arith.constant 0 : i32
    %add3A_4 = arith.addi %mul3A_2, %add3A_3 : i32
    %dma_start3A = tpu.memref_slice %arg2[%add3A_4] : memref<819200xi32, #tpu.memory_space<hbm>> -> memref<128xi32, #tpu.memory_space<hbm>>
    %dma_start3A_5 = tpu.memref_slice %arg2[%add3A_4] : memref<819200xi32, #tpu.memory_space<hbm>> -> memref<128xi32, #tpu.memory_space<hbm>>
    tpu.enqueue_dma source(%dma_start3A_5 : memref<128xi32, #tpu.memory_space<hbm>>) target(%arg5 : memref<128xi32, #tpu.memory_space<vmem>>) target_semaphore(%arg7 : memref<!tpu.dma_semaphore, #tpu.memory_space<semaphore_mem>>)
    %add3A_6 = arith.constant 128 : i32
    %add3A_7 = arith.addi %mul3A_2, %add3A_6 : i32
    %dma_start3A_8 = tpu.memref_slice %arg2[%add3A_7] : memref<819200xi32, #tpu.memory_space<hbm>> -> memref<128xi32, #tpu.memory_space<hbm>>
    %dma_start3A_9 = tpu.memref_slice %arg2[%add3A_7] : memref<819200xi32, #tpu.memory_space<hbm>> -> memref<128xi32, #tpu.memory_space<hbm>>
    tpu.enqueue_dma source(%dma_start3A_9 : memref<128xi32, #tpu.memory_space<hbm>>) target(%arg10 : memref<128xi32, #tpu.memory_space<vmem>>) target_semaphore(%arg12 : memref<!tpu.dma_semaphore, #tpu.memory_space<semaphore_mem>>)
    %add3A_10 = arith.constant 256 : i32
    %add3A_11 = arith.addi %mul3A_2, %add3A_10 : i32
    %dma_start3A_12 = tpu.memref_slice %arg2[%add3A_11] : memref<819200xi32, #tpu.memory_space<hbm>> -> memref<128xi32, #tpu.memory_space<hbm>>
    %dma_start3A_13 = tpu.memref_slice %arg2[%add3A_11] : memref<819200xi32, #tpu.memory_space<hbm>> -> memref<128xi32, #tpu.memory_space<hbm>>
    tpu.enqueue_dma source(%dma_start3A_13 : memref<128xi32, #tpu.memory_space<hbm>>) target(%arg15 : memref<128xi32, #tpu.memory_space<vmem>>) target_semaphore(%arg17 : memref<!tpu.dma_semaphore, #tpu.memory_space<semaphore_mem>>)
    %add3A_14 = arith.constant 384 : i32
    %add3A_15 = arith.addi %mul3A_2, %add3A_14 : i32
    %dma_start3A_16 = tpu.memref_slice %arg2[%add3A_15] : memref<819200xi32, #tpu.memory_space<hbm>> -> memref<128xi32, #tpu.memory_space<hbm>>
    %dma_start3A_17 = tpu.memref_slice %arg2[%add3A_15] : memref<819200xi32, #tpu.memory_space<hbm>> -> memref<128xi32, #tpu.memory_space<hbm>>
    tpu.enqueue_dma source(%dma_start3A_17 : memref<128xi32, #tpu.memory_space<hbm>>) target(%arg20 : memref<128xi32, #tpu.memory_space<vmem>>) target_semaphore(%arg22 : memref<!tpu.dma_semaphore, #tpu.memory_space<semaphore_mem>>)
    %add3A_18 = arith.constant 0 : i32
    %add3A_19 = arith.addi %mul3A_2, %add3A_18 : i32
    %dma_wait3A = tpu.memref_slice %arg2[%add3A_19] : memref<819200xi32, #tpu.memory_space<hbm>> -> memref<128xi32, #tpu.memory_space<hbm>>
    %dma_wait3A_20 = tpu.memref_slice %arg2[%add3A_19] : memref<819200xi32, #tpu.memory_space<hbm>> -> memref<128xi32, #tpu.memory_space<hbm>>
    tpu.wait_dma2 semaphore(%arg7 : memref<!tpu.dma_semaphore, #tpu.memory_space<semaphore_mem>>) src(%dma_wait3A_20 : memref<128xi32, #tpu.memory_space<hbm>>) dst(%arg5 : memref<128xi32, #tpu.memory_space<vmem>>)
    %dma_start3A_21 = arith.constant 0 : i32
    %dma_start3A_22 = arith.constant 0 : i32
    %dma_start3A_23 = tpu.memref_slice %arg3[%dma_start3A_21, %dma_start3A_22] : memref<1000000x128xf32, #tpu.memory_space<hbm>> -> memref<1000000x128xf32, #tpu.memory_space<hbm>>
    tpu.enqueue_indirect_dma source(%dma_start3A_23 : memref<1000000x128xf32, #tpu.memory_space<hbm>>) target(%arg6 : memref<128x128xf32, #tpu.memory_space<vmem>>) offsets(%arg5 : memref<128xi32, #tpu.memory_space<vmem>>) semaphore(%arg8 : memref<!tpu.dma_semaphore, #tpu.memory_space<semaphore_mem>>)
    %add3A_24 = arith.constant 128 : i32
    %add3A_25 = arith.addi %mul3A_2, %add3A_24 : i32
    %dma_wait3A_26 = tpu.memref_slice %arg2[%add3A_25] : memref<819200xi32, #tpu.memory_space<hbm>> -> memref<128xi32, #tpu.memory_space<hbm>>
    %dma_wait3A_27 = tpu.memref_slice %arg2[%add3A_25] : memref<819200xi32, #tpu.memory_space<hbm>> -> memref<128xi32, #tpu.memory_space<hbm>>
    tpu.wait_dma2 semaphore(%arg12 : memref<!tpu.dma_semaphore, #tpu.memory_space<semaphore_mem>>) src(%dma_wait3A_27 : memref<128xi32, #tpu.memory_space<hbm>>) dst(%arg10 : memref<128xi32, #tpu.memory_space<vmem>>)
    %dma_start3A_28 = arith.constant 0 : i32
    %dma_start3A_29 = arith.constant 0 : i32
    %dma_start3A_30 = tpu.memref_slice %arg3[%dma_start3A_28, %dma_start3A_29] : memref<1000000x128xf32, #tpu.memory_space<hbm>> -> memref<1000000x128xf32, #tpu.memory_space<hbm>>
    tpu.enqueue_indirect_dma source(%dma_start3A_30 : memref<1000000x128xf32, #tpu.memory_space<hbm>>) target(%arg11 : memref<128x128xf32, #tpu.memory_space<vmem>>) offsets(%arg10 : memref<128xi32, #tpu.memory_space<vmem>>) semaphore(%arg13 : memref<!tpu.dma_semaphore, #tpu.memory_space<semaphore_mem>>)
    %scan3A = arith.constant 0 : i32
    %scan3A_31 = arith.constant 0 : i32
    %scan3A_32 = arith.constant 50 : i32
    %scan3A_33 = arith.addi %scan3A_31, %scan3A_32 : i32
    %scan3A_34 = arith.constant 1 : i32
    scf.for %scan3A_48 = %scan3A_31 to %scan3A_33 step %scan3A_34  : i32 {
      %mul3A_49 = arith.constant 4 : i32
      %mul3A_50 = arith.muli %scan3A_48, %mul3A_49 : i32
      %add3A_51 = arith.constant 0 : i32
      %add3A_52 = arith.addi %mul3A_50, %add3A_51 : i32
      %dma_wait3A_53 = arith.constant 0 : i32
      %dma_wait3A_54 = arith.constant 0 : i32
      %dma_wait3A_55 = tpu.memref_slice %arg3[%dma_wait3A_53, %dma_wait3A_54] : memref<1000000x128xf32, #tpu.memory_space<hbm>> -> memref<1000000x128xf32, #tpu.memory_space<hbm>>
      tpu.wait_indirect_dma semaphore(%arg8 : memref<!tpu.dma_semaphore, #tpu.memory_space<semaphore_mem>>) src(%dma_wait3A_55 : memref<1000000x128xf32, #tpu.memory_space<hbm>>) dst(%arg6 : memref<128x128xf32, #tpu.memory_space<vmem>>)
      %mul3A_56 = arith.constant 128 : i32
      %mul3A_57 = arith.muli %add3A_52, %mul3A_56 : i32
      %add3A_58 = arith.addi %mul3A_2, %mul3A_57 : i32
      %dma_start3A_59 = arith.constant 0 : i32
      %dma_start3A_60 = tpu.memref_slice %arg4[%add3A_58, %dma_start3A_59] : memref<819200x128xf32, #tpu.memory_space<hbm>> -> memref<128x128xf32, #tpu.memory_space<hbm>>
      %dma_start3A_61 = arith.constant 0 : i32
      %dma_start3A_62 = tpu.memref_slice %arg4[%add3A_58, %dma_start3A_61] : memref<819200x128xf32, #tpu.memory_space<hbm>> -> memref<128x128xf32, #tpu.memory_space<hbm>>
      tpu.enqueue_dma source(%arg6 : memref<128x128xf32, #tpu.memory_space<vmem>>) target(%dma_start3A_62 : memref<128x128xf32, #tpu.memory_space<hbm>>) target_semaphore(%arg9 : memref<!tpu.dma_semaphore, #tpu.memory_space<semaphore_mem>>)
      %add3A_63 = arith.constant 4 : i32
      %add3A_64 = arith.addi %add3A_52, %add3A_63 : i32
      %lt3A = arith.constant 200 : i32
      %lt3A_65 = arith.cmpi slt, %add3A_64, %lt3A : i32
      %convert_element_type3A = arith.extui %lt3A_65 : i1 to i32
      %cond3A = arith.constant 0 : i32
      %cond3A_66 = arith.cmpi ne, %convert_element_type3A, %cond3A : i32
      scf.if %cond3A_66 {
        %add3A_177 = arith.constant 4 : i32
        %add3A_178 = arith.addi %add3A_52, %add3A_177 : i32
        %mul3A_179 = arith.constant 128 : i32
        %mul3A_180 = arith.muli %add3A_178, %mul3A_179 : i32
        %add3A_181 = arith.addi %mul3A_2, %mul3A_180 : i32
        %dma_start3A_182 = tpu.memref_slice %arg2[%add3A_181] : memref<819200xi32, #tpu.memory_space<hbm>> -> memref<128xi32, #tpu.memory_space<hbm>>
        %dma_start3A_183 = tpu.memref_slice %arg2[%add3A_181] : memref<819200xi32, #tpu.memory_space<hbm>> -> memref<128xi32, #tpu.memory_space<hbm>>
        tpu.enqueue_dma source(%dma_start3A_183 : memref<128xi32, #tpu.memory_space<hbm>>) target(%arg5 : memref<128xi32, #tpu.memory_space<vmem>>) target_semaphore(%arg7 : memref<!tpu.dma_semaphore, #tpu.memory_space<semaphore_mem>>)
      } else {
      }
      %add3A_67 = arith.constant 2 : i32
      %add3A_68 = arith.addi %add3A_52, %add3A_67 : i32
      %ge3A = arith.constant 4 : i32
      %ge3A_69 = arith.cmpi sge, %add3A_68, %ge3A : i32
      %convert_element_type3A_70 = arith.extui %ge3A_69 : i1 to i32
      %cond3A_71 = arith.constant 0 : i32
      %cond3A_72 = arith.cmpi ne, %convert_element_type3A_70, %cond3A_71 : i32
      scf.if %cond3A_72 {
        %sub3A = arith.constant 4 : i32
        %sub3A_177 = arith.subi %add3A_68, %sub3A : i32
        %mul3A_178 = arith.constant 128 : i32
        %mul3A_179 = arith.muli %sub3A_177, %mul3A_178 : i32
        %add3A_180 = arith.addi %mul3A_2, %mul3A_179 : i32
        %dma_wait3A_181 = arith.constant 0 : i32
        %dma_wait3A_182 = tpu.memref_slice %arg4[%add3A_180, %dma_wait3A_181] : memref<819200x128xf32, #tpu.memory_space<hbm>> -> memref<128x128xf32, #tpu.memory_space<hbm>>
        %dma_wait3A_183 = arith.constant 0 : i32
        %dma_wait3A_184 = tpu.memref_slice %arg4[%add3A_180, %dma_wait3A_183] : memref<819200x128xf32, #tpu.memory_space<hbm>> -> memref<128x128xf32, #tpu.memory_space<hbm>>
        tpu.wait_dma2 semaphore(%arg19 : memref<!tpu.dma_semaphore, #tpu.memory_space<semaphore_mem>>) src(%arg16 : memref<128x128xf32, #tpu.memory_space<vmem>>) dst(%dma_wait3A_184 : memref<128x128xf32, #tpu.memory_space<hbm>>)
      } else {
      }
      %lt3A_73 = arith.constant 200 : i32
      %lt3A_74 = arith.cmpi slt, %add3A_68, %lt3A_73 : i32
      %convert_element_type3A_75 = arith.extui %lt3A_74 : i1 to i32
      %cond3A_76 = arith.constant 0 : i32
      %cond3A_77 = arith.cmpi ne, %convert_element_type3A_75, %cond3A_76 : i32
      scf.if %cond3A_77 {
        %mul3A_177 = arith.constant 128 : i32
        %mul3A_178 = arith.muli %add3A_68, %mul3A_177 : i32
        %add3A_179 = arith.addi %mul3A_2, %mul3A_178 : i32
        %dma_wait3A_180 = tpu.memref_slice %arg2[%add3A_179] : memref<819200xi32, #tpu.memory_space<hbm>> -> memref<128xi32, #tpu.memory_space<hbm>>
        %dma_wait3A_181 = tpu.memref_slice %arg2[%add3A_179] : memref<819200xi32, #tpu.memory_space<hbm>> -> memref<128xi32, #tpu.memory_space<hbm>>
        tpu.wait_dma2 semaphore(%arg17 : memref<!tpu.dma_semaphore, #tpu.memory_space<semaphore_mem>>) src(%dma_wait3A_181 : memref<128xi32, #tpu.memory_space<hbm>>) dst(%arg15 : memref<128xi32, #tpu.memory_space<vmem>>)
        %dma_start3A_182 = arith.constant 0 : i32
        %dma_start3A_183 = arith.constant 0 : i32
        %dma_start3A_184 = tpu.memref_slice %arg3[%dma_start3A_182, %dma_start3A_183] : memref<1000000x128xf32, #tpu.memory_space<hbm>> -> memref<1000000x128xf32, #tpu.memory_space<hbm>>
        tpu.enqueue_indirect_dma source(%dma_start3A_184 : memref<1000000x128xf32, #tpu.memory_space<hbm>>) target(%arg16 : memref<128x128xf32, #tpu.memory_space<vmem>>) offsets(%arg15 : memref<128xi32, #tpu.memory_space<vmem>>) semaphore(%arg18 : memref<!tpu.dma_semaphore, #tpu.memory_space<semaphore_mem>>)
      } else {
      }
      %mul3A_78 = arith.constant 4 : i32
      %mul3A_79 = arith.muli %scan3A_48, %mul3A_78 : i32
      %add3A_80 = arith.constant 1 : i32
      %add3A_81 = arith.addi %mul3A_79, %add3A_80 : i32
      %dma_wait3A_82 = arith.constant 0 : i32
      %dma_wait3A_83 = arith.constant 0 : i32
      %dma_wait3A_84 = tpu.memref_slice %arg3[%dma_wait3A_82, %dma_wait3A_83] : memref<1000000x128xf32, #tpu.memory_space<hbm>> -> memref<1000000x128xf32, #tpu.memory_space<hbm>>
      tpu.wait_indirect_dma semaphore(%arg13 : memref<!tpu.dma_semaphore, #tpu.memory_space<semaphore_mem>>) src(%dma_wait3A_84 : memref<1000000x128xf32, #tpu.memory_space<hbm>>) dst(%arg11 : memref<128x128xf32, #tpu.memory_space<vmem>>)
      %mul3A_85 = arith.constant 128 : i32
      %mul3A_86 = arith.muli %add3A_81, %mul3A_85 : i32
      %add3A_87 = arith.addi %mul3A_2, %mul3A_86 : i32
      %dma_start3A_88 = arith.constant 0 : i32
      %dma_start3A_89 = tpu.memref_slice %arg4[%add3A_87, %dma_start3A_88] : memref<819200x128xf32, #tpu.memory_space<hbm>> -> memref<128x128xf32, #tpu.memory_space<hbm>>
      %dma_start3A_90 = arith.constant 0 : i32
      %dma_start3A_91 = tpu.memref_slice %arg4[%add3A_87, %dma_start3A_90] : memref<819200x128xf32, #tpu.memory_space<hbm>> -> memref<128x128xf32, #tpu.memory_space<hbm>>
      tpu.enqueue_dma source(%arg11 : memref<128x128xf32, #tpu.memory_space<vmem>>) target(%dma_start3A_91 : memref<128x128xf32, #tpu.memory_space<hbm>>) target_semaphore(%arg14 : memref<!tpu.dma_semaphore, #tpu.memory_space<semaphore_mem>>)
      %add3A_92 = arith.constant 4 : i32
      %add3A_93 = arith.addi %add3A_81, %add3A_92 : i32
      %lt3A_94 = arith.constant 200 : i32
      %lt3A_95 = arith.cmpi slt, %add3A_93, %lt3A_94 : i32
      %convert_element_type3A_96 = arith.extui %lt3A_95 : i1 to i32
      %cond3A_97 = arith.constant 0 : i32
      %cond3A_98 = arith.cmpi ne, %convert_element_type3A_96, %cond3A_97 : i32
      scf.if %cond3A_98 {
        %add3A_177 = arith.constant 4 : i32
        %add3A_178 = arith.addi %add3A_81, %add3A_177 : i32
        %mul3A_179 = arith.constant 128 : i32
        %mul3A_180 = arith.muli %add3A_178, %mul3A_179 : i32
        %add3A_181 = arith.addi %mul3A_2, %mul3A_180 : i32
        %dma_start3A_182 = tpu.memref_slice %arg2[%add3A_181] : memref<819200xi32, #tpu.memory_space<hbm>> -> memref<128xi32, #tpu.memory_space<hbm>>
        %dma_start3A_183 = tpu.memref_slice %arg2[%add3A_181] : memref<819200xi32, #tpu.memory_space<hbm>> -> memref<128xi32, #tpu.memory_space<hbm>>
        tpu.enqueue_dma source(%dma_start3A_183 : memref<128xi32, #tpu.memory_space<hbm>>) target(%arg10 : memref<128xi32, #tpu.memory_space<vmem>>) target_semaphore(%arg12 : memref<!tpu.dma_semaphore, #tpu.memory_space<semaphore_mem>>)
      } else {
      }
      %add3A_99 = arith.constant 2 : i32
      %add3A_100 = arith.addi %add3A_81, %add3A_99 : i32
      %ge3A_101 = arith.constant 4 : i32
      %ge3A_102 = arith.cmpi sge, %add3A_100, %ge3A_101 : i32
      %convert_element_type3A_103 = arith.extui %ge3A_102 : i1 to i32
      %cond3A_104 = arith.constant 0 : i32
      %cond3A_105 = arith.cmpi ne, %convert_element_type3A_103, %cond3A_104 : i32
      scf.if %cond3A_105 {
        %sub3A = arith.constant 4 : i32
        %sub3A_177 = arith.subi %add3A_100, %sub3A : i32
        %mul3A_178 = arith.constant 128 : i32
        %mul3A_179 = arith.muli %sub3A_177, %mul3A_178 : i32
        %add3A_180 = arith.addi %mul3A_2, %mul3A_179 : i32
        %dma_wait3A_181 = arith.constant 0 : i32
        %dma_wait3A_182 = tpu.memref_slice %arg4[%add3A_180, %dma_wait3A_181] : memref<819200x128xf32, #tpu.memory_space<hbm>> -> memref<128x128xf32, #tpu.memory_space<hbm>>
        %dma_wait3A_183 = arith.constant 0 : i32
        %dma_wait3A_184 = tpu.memref_slice %arg4[%add3A_180, %dma_wait3A_183] : memref<819200x128xf32, #tpu.memory_space<hbm>> -> memref<128x128xf32, #tpu.memory_space<hbm>>
        tpu.wait_dma2 semaphore(%arg24 : memref<!tpu.dma_semaphore, #tpu.memory_space<semaphore_mem>>) src(%arg21 : memref<128x128xf32, #tpu.memory_space<vmem>>) dst(%dma_wait3A_184 : memref<128x128xf32, #tpu.memory_space<hbm>>)
      } else {
      }
      %lt3A_106 = arith.constant 200 : i32
      %lt3A_107 = arith.cmpi slt, %add3A_100, %lt3A_106 : i32
      %convert_element_type3A_108 = arith.extui %lt3A_107 : i1 to i32
      %cond3A_109 = arith.constant 0 : i32
      %cond3A_110 = arith.cmpi ne, %convert_element_type3A_108, %cond3A_109 : i32
      scf.if %cond3A_110 {
        %mul3A_177 = arith.constant 128 : i32
        %mul3A_178 = arith.muli %add3A_100, %mul3A_177 : i32
        %add3A_179 = arith.addi %mul3A_2, %mul3A_178 : i32
        %dma_wait3A_180 = tpu.memref_slice %arg2[%add3A_179] : memref<819200xi32, #tpu.memory_space<hbm>> -> memref<128xi32, #tpu.memory_space<hbm>>
        %dma_wait3A_181 = tpu.memref_slice %arg2[%add3A_179] : memref<819200xi32, #tpu.memory_space<hbm>> -> memref<128xi32, #tpu.memory_space<hbm>>
        tpu.wait_dma2 semaphore(%arg22 : memref<!tpu.dma_semaphore, #tpu.memory_space<semaphore_mem>>) src(%dma_wait3A_181 : memref<128xi32, #tpu.memory_space<hbm>>) dst(%arg20 : memref<128xi32, #tpu.memory_space<vmem>>)
        %dma_start3A_182 = arith.constant 0 : i32
        %dma_start3A_183 = arith.constant 0 : i32
        %dma_start3A_184 = tpu.memref_slice %arg3[%dma_start3A_182, %dma_start3A_183] : memref<1000000x128xf32, #tpu.memory_space<hbm>> -> memref<1000000x128xf32, #tpu.memory_space<hbm>>
        tpu.enqueue_indirect_dma source(%dma_start3A_184 : memref<1000000x128xf32, #tpu.memory_space<hbm>>) target(%arg21 : memref<128x128xf32, #tpu.memory_space<vmem>>) offsets(%arg20 : memref<128xi32, #tpu.memory_space<vmem>>) semaphore(%arg23 : memref<!tpu.dma_semaphore, #tpu.memory_space<semaphore_mem>>)
      } else {
      }
      %mul3A_111 = arith.constant 4 : i32
      %mul3A_112 = arith.muli %scan3A_48, %mul3A_111 : i32
      %add3A_113 = arith.constant 2 : i32
      %add3A_114 = arith.addi %mul3A_112, %add3A_113 : i32
      %dma_wait3A_115 = arith.constant 0 : i32
      %dma_wait3A_116 = arith.constant 0 : i32
      %dma_wait3A_117 = tpu.memref_slice %arg3[%dma_wait3A_115, %dma_wait3A_116] : memref<1000000x128xf32, #tpu.memory_space<hbm>> -> memref<1000000x128xf32, #tpu.memory_space<hbm>>
      tpu.wait_indirect_dma semaphore(%arg18 : memref<!tpu.dma_semaphore, #tpu.memory_space<semaphore_mem>>) src(%dma_wait3A_117 : memref<1000000x128xf32, #tpu.memory_space<hbm>>) dst(%arg16 : memref<128x128xf32, #tpu.memory_space<vmem>>)
      %mul3A_118 = arith.constant 128 : i32
      %mul3A_119 = arith.muli %add3A_114, %mul3A_118 : i32
      %add3A_120 = arith.addi %mul3A_2, %mul3A_119 : i32
      %dma_start3A_121 = arith.constant 0 : i32
      %dma_start3A_122 = tpu.memref_slice %arg4[%add3A_120, %dma_start3A_121] : memref<819200x128xf32, #tpu.memory_space<hbm>> -> memref<128x128xf32, #tpu.memory_space<hbm>>
      %dma_start3A_123 = arith.constant 0 : i32
      %dma_start3A_124 = tpu.memref_slice %arg4[%add3A_120, %dma_start3A_123] : memref<819200x128xf32, #tpu.memory_space<hbm>> -> memref<128x128xf32, #tpu.memory_space<hbm>>
      tpu.enqueue_dma source(%arg16 : memref<128x128xf32, #tpu.memory_space<vmem>>) target(%dma_start3A_124 : memref<128x128xf32, #tpu.memory_space<hbm>>) target_semaphore(%arg19 : memref<!tpu.dma_semaphore, #tpu.memory_space<semaphore_mem>>)
      %add3A_125 = arith.constant 4 : i32
      %add3A_126 = arith.addi %add3A_114, %add3A_125 : i32
      %lt3A_127 = arith.constant 200 : i32
      %lt3A_128 = arith.cmpi slt, %add3A_126, %lt3A_127 : i32
      %convert_element_type3A_129 = arith.extui %lt3A_128 : i1 to i32
      %cond3A_130 = arith.constant 0 : i32
      %cond3A_131 = arith.cmpi ne, %convert_element_type3A_129, %cond3A_130 : i32
      scf.if %cond3A_131 {
        %add3A_177 = arith.constant 4 : i32
        %add3A_178 = arith.addi %add3A_114, %add3A_177 : i32
        %mul3A_179 = arith.constant 128 : i32
        %mul3A_180 = arith.muli %add3A_178, %mul3A_179 : i32
        %add3A_181 = arith.addi %mul3A_2, %mul3A_180 : i32
        %dma_start3A_182 = tpu.memref_slice %arg2[%add3A_181] : memref<819200xi32, #tpu.memory_space<hbm>> -> memref<128xi32, #tpu.memory_space<hbm>>
        %dma_start3A_183 = tpu.memref_slice %arg2[%add3A_181] : memref<819200xi32, #tpu.memory_space<hbm>> -> memref<128xi32, #tpu.memory_space<hbm>>
        tpu.enqueue_dma source(%dma_start3A_183 : memref<128xi32, #tpu.memory_space<hbm>>) target(%arg15 : memref<128xi32, #tpu.memory_space<vmem>>) target_semaphore(%arg17 : memref<!tpu.dma_semaphore, #tpu.memory_space<semaphore_mem>>)
      } else {
      }
      %add3A_132 = arith.constant 2 : i32
      %add3A_133 = arith.addi %add3A_114, %add3A_132 : i32
      %ge3A_134 = arith.constant 4 : i32
      %ge3A_135 = arith.cmpi sge, %add3A_133, %ge3A_134 : i32
      %convert_element_type3A_136 = arith.extui %ge3A_135 : i1 to i32
      %cond3A_137 = arith.constant 0 : i32
      %cond3A_138 = arith.cmpi ne, %convert_element_type3A_136, %cond3A_137 : i32
      scf.if %cond3A_138 {
        %sub3A = arith.constant 4 : i32
        %sub3A_177 = arith.subi %add3A_133, %sub3A : i32
        %mul3A_178 = arith.constant 128 : i32
        %mul3A_179 = arith.muli %sub3A_177, %mul3A_178 : i32
        %add3A_180 = arith.addi %mul3A_2, %mul3A_179 : i32
        %dma_wait3A_181 = arith.constant 0 : i32
        %dma_wait3A_182 = tpu.memref_slice %arg4[%add3A_180, %dma_wait3A_181] : memref<819200x128xf32, #tpu.memory_space<hbm>> -> memref<128x128xf32, #tpu.memory_space<hbm>>
        %dma_wait3A_183 = arith.constant 0 : i32
        %dma_wait3A_184 = tpu.memref_slice %arg4[%add3A_180, %dma_wait3A_183] : memref<819200x128xf32, #tpu.memory_space<hbm>> -> memref<128x128xf32, #tpu.memory_space<hbm>>
        tpu.wait_dma2 semaphore(%arg9 : memref<!tpu.dma_semaphore, #tpu.memory_space<semaphore_mem>>) src(%arg6 : memref<128x128xf32, #tpu.memory_space<vmem>>) dst(%dma_wait3A_184 : memref<128x128xf32, #tpu.memory_space<hbm>>)
      } else {
      }
      %lt3A_139 = arith.constant 200 : i32
      %lt3A_140 = arith.cmpi slt, %add3A_133, %lt3A_139 : i32
      %convert_element_type3A_141 = arith.extui %lt3A_140 : i1 to i32
      %cond3A_142 = arith.constant 0 : i32
      %cond3A_143 = arith.cmpi ne, %convert_element_type3A_141, %cond3A_142 : i32
      scf.if %cond3A_143 {
        %mul3A_177 = arith.constant 128 : i32
        %mul3A_178 = arith.muli %add3A_133, %mul3A_177 : i32
        %add3A_179 = arith.addi %mul3A_2, %mul3A_178 : i32
        %dma_wait3A_180 = tpu.memref_slice %arg2[%add3A_179] : memref<819200xi32, #tpu.memory_space<hbm>> -> memref<128xi32, #tpu.memory_space<hbm>>
        %dma_wait3A_181 = tpu.memref_slice %arg2[%add3A_179] : memref<819200xi32, #tpu.memory_space<hbm>> -> memref<128xi32, #tpu.memory_space<hbm>>
        tpu.wait_dma2 semaphore(%arg7 : memref<!tpu.dma_semaphore, #tpu.memory_space<semaphore_mem>>) src(%dma_wait3A_181 : memref<128xi32, #tpu.memory_space<hbm>>) dst(%arg5 : memref<128xi32, #tpu.memory_space<vmem>>)
        %dma_start3A_182 = arith.constant 0 : i32
        %dma_start3A_183 = arith.constant 0 : i32
        %dma_start3A_184 = tpu.memref_slice %arg3[%dma_start3A_182, %dma_start3A_183] : memref<1000000x128xf32, #tpu.memory_space<hbm>> -> memref<1000000x128xf32, #tpu.memory_space<hbm>>
        tpu.enqueue_indirect_dma source(%dma_start3A_184 : memref<1000000x128xf32, #tpu.memory_space<hbm>>) target(%arg6 : memref<128x128xf32, #tpu.memory_space<vmem>>) offsets(%arg5 : memref<128xi32, #tpu.memory_space<vmem>>) semaphore(%arg8 : memref<!tpu.dma_semaphore, #tpu.memory_space<semaphore_mem>>)
      } else {
      }
      %mul3A_144 = arith.constant 4 : i32
      %mul3A_145 = arith.muli %scan3A_48, %mul3A_144 : i32
      %add3A_146 = arith.constant 3 : i32
      %add3A_147 = arith.addi %mul3A_145, %add3A_146 : i32
      %dma_wait3A_148 = arith.constant 0 : i32
      %dma_wait3A_149 = arith.constant 0 : i32
      %dma_wait3A_150 = tpu.memref_slice %arg3[%dma_wait3A_148, %dma_wait3A_149] : memref<1000000x128xf32, #tpu.memory_space<hbm>> -> memref<1000000x128xf32, #tpu.memory_space<hbm>>
      tpu.wait_indirect_dma semaphore(%arg23 : memref<!tpu.dma_semaphore, #tpu.memory_space<semaphore_mem>>) src(%dma_wait3A_150 : memref<1000000x128xf32, #tpu.memory_space<hbm>>) dst(%arg21 : memref<128x128xf32, #tpu.memory_space<vmem>>)
      %mul3A_151 = arith.constant 128 : i32
      %mul3A_152 = arith.muli %add3A_147, %mul3A_151 : i32
      %add3A_153 = arith.addi %mul3A_2, %mul3A_152 : i32
      %dma_start3A_154 = arith.constant 0 : i32
      %dma_start3A_155 = tpu.memref_slice %arg4[%add3A_153, %dma_start3A_154] : memref<819200x128xf32, #tpu.memory_space<hbm>> -> memref<128x128xf32, #tpu.memory_space<hbm>>
      %dma_start3A_156 = arith.constant 0 : i32
      %dma_start3A_157 = tpu.memref_slice %arg4[%add3A_153, %dma_start3A_156] : memref<819200x128xf32, #tpu.memory_space<hbm>> -> memref<128x128xf32, #tpu.memory_space<hbm>>
      tpu.enqueue_dma source(%arg21 : memref<128x128xf32, #tpu.memory_space<vmem>>) target(%dma_start3A_157 : memref<128x128xf32, #tpu.memory_space<hbm>>) target_semaphore(%arg24 : memref<!tpu.dma_semaphore, #tpu.memory_space<semaphore_mem>>)
      %add3A_158 = arith.constant 4 : i32
      %add3A_159 = arith.addi %add3A_147, %add3A_158 : i32
      %lt3A_160 = arith.constant 200 : i32
      %lt3A_161 = arith.cmpi slt, %add3A_159, %lt3A_160 : i32
      %convert_element_type3A_162 = arith.extui %lt3A_161 : i1 to i32
      %cond3A_163 = arith.constant 0 : i32
      %cond3A_164 = arith.cmpi ne, %convert_element_type3A_162, %cond3A_163 : i32
      scf.if %cond3A_164 {
        %add3A_177 = arith.constant 4 : i32
        %add3A_178 = arith.addi %add3A_147, %add3A_177 : i32
        %mul3A_179 = arith.constant 128 : i32
        %mul3A_180 = arith.muli %add3A_178, %mul3A_179 : i32
        %add3A_181 = arith.addi %mul3A_2, %mul3A_180 : i32
        %dma_start3A_182 = tpu.memref_slice %arg2[%add3A_181] : memref<819200xi32, #tpu.memory_space<hbm>> -> memref<128xi32, #tpu.memory_space<hbm>>
        %dma_start3A_183 = tpu.memref_slice %arg2[%add3A_181] : memref<819200xi32, #tpu.memory_space<hbm>> -> memref<128xi32, #tpu.memory_space<hbm>>
        tpu.enqueue_dma source(%dma_start3A_183 : memref<128xi32, #tpu.memory_space<hbm>>) target(%arg20 : memref<128xi32, #tpu.memory_space<vmem>>) target_semaphore(%arg22 : memref<!tpu.dma_semaphore, #tpu.memory_space<semaphore_mem>>)
      } else {
      }
      %add3A_165 = arith.constant 2 : i32
      %add3A_166 = arith.addi %add3A_147, %add3A_165 : i32
      %ge3A_167 = arith.constant 4 : i32
      %ge3A_168 = arith.cmpi sge, %add3A_166, %ge3A_167 : i32
      %convert_element_type3A_169 = arith.extui %ge3A_168 : i1 to i32
      %cond3A_170 = arith.constant 0 : i32
      %cond3A_171 = arith.cmpi ne, %convert_element_type3A_169, %cond3A_170 : i32
      scf.if %cond3A_171 {
        %sub3A = arith.constant 4 : i32
        %sub3A_177 = arith.subi %add3A_166, %sub3A : i32
        %mul3A_178 = arith.constant 128 : i32
        %mul3A_179 = arith.muli %sub3A_177, %mul3A_178 : i32
        %add3A_180 = arith.addi %mul3A_2, %mul3A_179 : i32
        %dma_wait3A_181 = arith.constant 0 : i32
        %dma_wait3A_182 = tpu.memref_slice %arg4[%add3A_180, %dma_wait3A_181] : memref<819200x128xf32, #tpu.memory_space<hbm>> -> memref<128x128xf32, #tpu.memory_space<hbm>>
        %dma_wait3A_183 = arith.constant 0 : i32
        %dma_wait3A_184 = tpu.memref_slice %arg4[%add3A_180, %dma_wait3A_183] : memref<819200x128xf32, #tpu.memory_space<hbm>> -> memref<128x128xf32, #tpu.memory_space<hbm>>
        tpu.wait_dma2 semaphore(%arg14 : memref<!tpu.dma_semaphore, #tpu.memory_space<semaphore_mem>>) src(%arg11 : memref<128x128xf32, #tpu.memory_space<vmem>>) dst(%dma_wait3A_184 : memref<128x128xf32, #tpu.memory_space<hbm>>)
      } else {
      }
      %lt3A_172 = arith.constant 200 : i32
      %lt3A_173 = arith.cmpi slt, %add3A_166, %lt3A_172 : i32
      %convert_element_type3A_174 = arith.extui %lt3A_173 : i1 to i32
      %cond3A_175 = arith.constant 0 : i32
      %cond3A_176 = arith.cmpi ne, %convert_element_type3A_174, %cond3A_175 : i32
      scf.if %cond3A_176 {
        %mul3A_177 = arith.constant 128 : i32
        %mul3A_178 = arith.muli %add3A_166, %mul3A_177 : i32
        %add3A_179 = arith.addi %mul3A_2, %mul3A_178 : i32
        %dma_wait3A_180 = tpu.memref_slice %arg2[%add3A_179] : memref<819200xi32, #tpu.memory_space<hbm>> -> memref<128xi32, #tpu.memory_space<hbm>>
        %dma_wait3A_181 = tpu.memref_slice %arg2[%add3A_179] : memref<819200xi32, #tpu.memory_space<hbm>> -> memref<128xi32, #tpu.memory_space<hbm>>
        tpu.wait_dma2 semaphore(%arg12 : memref<!tpu.dma_semaphore, #tpu.memory_space<semaphore_mem>>) src(%dma_wait3A_181 : memref<128xi32, #tpu.memory_space<hbm>>) dst(%arg10 : memref<128xi32, #tpu.memory_space<vmem>>)
        %dma_start3A_182 = arith.constant 0 : i32
        %dma_start3A_183 = arith.constant 0 : i32
        %dma_start3A_184 = tpu.memref_slice %arg3[%dma_start3A_182, %dma_start3A_183] : memref<1000000x128xf32, #tpu.memory_space<hbm>> -> memref<1000000x128xf32, #tpu.memory_space<hbm>>
        tpu.enqueue_indirect_dma source(%dma_start3A_184 : memref<1000000x128xf32, #tpu.memory_space<hbm>>) target(%arg11 : memref<128x128xf32, #tpu.memory_space<vmem>>) offsets(%arg10 : memref<128xi32, #tpu.memory_space<vmem>>) semaphore(%arg13 : memref<!tpu.dma_semaphore, #tpu.memory_space<semaphore_mem>>)
      } else {
      }
    }
    %scan3A_35 = arith.constant 50 : i32
    %add3A_36 = arith.constant 25344 : i32
    %add3A_37 = arith.addi %mul3A_2, %add3A_36 : i32
    %dma_wait3A_38 = arith.constant 0 : i32
    %dma_wait3A_39 = tpu.memref_slice %arg4[%add3A_37, %dma_wait3A_38] : memref<819200x128xf32, #tpu.memory_space<hbm>> -> memref<128x128xf32, #tpu.memory_space<hbm>>
    %dma_wait3A_40 = arith.constant 0 : i32
    %dma_wait3A_41 = tpu.memref_slice %arg4[%add3A_37, %dma_wait3A_40] : memref<819200x128xf32, #tpu.memory_space<hbm>> -> memref<128x128xf32, #tpu.memory_space<hbm>>
    tpu.wait_dma2 semaphore(%arg19 : memref<!tpu.dma_semaphore, #tpu.memory_space<semaphore_mem>>) src(%arg16 : memref<128x128xf32, #tpu.memory_space<vmem>>) dst(%dma_wait3A_41 : memref<128x128xf32, #tpu.memory_space<hbm>>)
    %add3A_42 = arith.constant 25472 : i32
    %add3A_43 = arith.addi %mul3A_2, %add3A_42 : i32
    %dma_wait3A_44 = arith.constant 0 : i32
    %dma_wait3A_45 = tpu.memref_slice %arg4[%add3A_43, %dma_wait3A_44] : memref<819200x128xf32, #tpu.memory_space<hbm>> -> memref<128x128xf32, #tpu.memory_space<hbm>>
    %dma_wait3A_46 = arith.constant 0 : i32
    %dma_wait3A_47 = tpu.memref_slice %arg4[%add3A_43, %dma_wait3A_46] : memref<819200x128xf32, #tpu.memory_space<hbm>> -> memref<128x128xf32, #tpu.memory_space<hbm>>
    tpu.wait_dma2 semaphore(%arg24 : memref<!tpu.dma_semaphore, #tpu.memory_space<semaphore_mem>>) src(%arg21 : memref<128x128xf32, #tpu.memory_space<vmem>>) dst(%dma_wait3A_47 : memref<128x128xf32, #tpu.memory_space<hbm>>)
    return
  }
}

</mosaic_0001>

<sc_bundles>
// kernel: kernel.3.cloned.1.call-start
scs
__scs_entry_jumppad:
0x0: {  	(pc) =	sbr.rel $0x88, $3  }
0x1: {  	(tag) =	ssettag $0x0;
	lr =	simm.s32 $0x1  }
0x2: {  	[smem:$0x3F9E] =	sst lr;
	_ =	strace $0xD0000000  }
0x3: {  	_ = 	snop  }
0x4: {  	_ = 	snop  }
0x5: {  	_ = 	snop  }
0x6: {  	_ = 	snop  }
0x7: {  	_ = 	snop  }
__scs_overlays_trampoline_lowered:
0x8: {  	[smem:$0x3FAD] =	sst s0  }
0x9: {  	[smem:$0x3FAE] =	sst s1  }
0xa: {  	[smem:$0x3FAF] =	sst s2  }
0xb: {  	[smem:$0x3FB0] =	sst s3  }
0xc: {  	[smem:$0x3FB1] =	sst s4  }
0xd: {  	[smem:$0x3FB2] =	sst s5  }
0xe: {  	[smem:$0x3FB3] =	sst s6  }
0xf: {  	[smem:$0x3FB4] =	sst s7  }
0x10: {  	[smem:$0x3FB5] =	sst s8  }
0x11: {  	[smem:$0x3FB6] =	sst s9;
	s0 =	simm.s32 @!p0 $0x0  }
0x12: {  	s1 =	sld [smem:$0x3F9C];
	s0 =	simm.s32 @p0 $0x1  }
0x13: {  	[smem:$0x3FB7] =	sst s0;
	s0 =	simm.s32 @!p1 $0x0  }
0x14: {  	s2 =	sld [smem:$0x3F9B];
	s0 =	simm.s32 @p1 $0x1  }
0x15: {  	[smem:$0x3FB8] =	sst s0;
	s0 =	simm.s32 @!p2 $0x0  }
0x16: {  	s3 =	sld [smem:$0x3FDB];
	s0 =	simm.s32 @p2 $0x1  }
0x17: {  	s4 =	simm.s32 $0x1BF5;
	[smem:$0x3FBA] =	sst s0  }
0x18: {  	s0 =	sld [smem:$0x3F9D];
	_ =	swait.ge [sflag:s4], $0x0  }
0x19: {  	s7 =	sld [smem:$0x3F9E]  }
0x1a: {  	s8 =	sadd.s32 $0xFFFFE003, lr  }
0x1b: {  	s9 =	sadd.s32 $0xFFFFFEF7, lr;
	s5 =	simm.s32 $0xFFFFFFFF;
	p2 =	slt.u32 s8, $0xFFFFF086  }
0x1c: {  	p1 =	slt.u32 s9, $0xF7A;
	s5 =	simm.s32 @!p2 $0x0  }
0x1d: {  	s5 =	simm.s32 @p1 $0x1;
	p0 =	seq.s32 s7, s2  }
0x1e: {  	s7 =	smul.u32 @!p0 $0xF7A, s2;
	p2 =	seq.s32 @!p0 s5, $0x0  }
0x1f: {  	s9 =	smul.u32 $0xF7A, s1;
	s8 =	simm.s32 @!p0 $0x1BF5;
	p2 =	por !p2, p0  }
0x20: {  	[sflag:s8] =	ssyncset.s32 @!p0 $0xFFFFF086;
	s6 =	sadd.s32 @!p0 s3, s7;
	s7 =	simm.s32 @!p0 $0x108  }
0x21: {  	s3 =	sadd.s32 s3, s9;
	s6 =	sadd.s32 @!p0 $0x88, s6;
	s7 =	simm.s32 @p2 $0x1082  }
0x22: {  	[simem:s7], [sflag:s8] =	dma.local @!p0 [hbm:s6], $0xF7A  }
0x23: {  	s9 =	sor.u32 $0xD0000000, s2;
	s6 =	simm.s32 $0x108;
	_ =	swait.ge @!p0 [sflag:s8], $0x0  }
0x24: {  	s3 =	sadd.s32 $0x88, s3;
	s6 =	simm.s32 @!p1 $0x1082;
	[sflag:s4] =	ssyncset.s32 $0xFFFFF086  }
0x25: {  	[simem:s6], [sflag:s4] =	dma.local [hbm:s3], $0xF7A  }
0x26: {  	[smem:$0x3F9E] =	sst s1;
	(tag) =	ssettag s2;
	_ =	strace s9  }
0x27: {  	s1 =	sld [smem:$0x3FAE]  }
0x28: {  	s2 =	sld [smem:$0x3FAF]  }
0x29: {  	s4 =	sld [smem:$0x3FB1]  }
0x2a: {  	p0 =	seq.s32 s5, $0x0;
	s5 =	sld [smem:$0x3FB2]  }
0x2b: {  	s6 =	sld [smem:$0x3FB3]  }
0x2c: {  	s7 =	sld [smem:$0x3FB4]  }
0x2d: {  	s3 =	simm.s32 $0x108;
	s8 =	sld [smem:$0x3FB5]  }
0x2e: {  	s3 =	simm.s32 @!p0 $0x1082;
	s9 =	sld [smem:$0x3FB6]  }
0x2f: {  	lr =	sadd.s32 s0, s3;
	s0 =	sld [smem:$0x3FAD]  }
0x30: {  	s3 =	sld [smem:$0x3FB0]  }
0x31: {  	[smem:$0x3FB9] =	sst s10  }
0x32: {  	s10 =	sld [smem:$0x3FB7];
	_ =	sdelay $0x3  }
0x33: {  	p0 =	seq.s32 s10, $0x1;
	s10 =	sld [smem:$0x3FB9];
	_ =	sdelay $0x3  }
0x34: {  	[smem:$0x3FB9] =	sst s10  }
0x35: {  	s10 =	sld [smem:$0x3FB8];
	_ =	sdelay $0x3  }
0x36: {  	p1 =	seq.s32 s10, $0x1;
	s10 =	sld [smem:$0x3FB9];
	_ =	sdelay $0x3  }
0x37: {  	[smem:$0x3FB9] =	sst s10  }
0x38: {  	s10 =	sld [smem:$0x3FBA]  }
0x39: {  	_ = 	snop;
	(pc) =	sbr.ind lr, $3  }
0x3a: {  	_ = 	snop  }
0x3b: {  	_ = 	snop  }
0x3c: {  	p2 =	seq.s32 s10, $0x1;
	s10 =	sld [smem:$0x3FB9]  }
0x3d: {  	_ =	shalt  }
0x3e: {  	_ =	shalt  }
0x3f: {  	_ =	shalt  }
0x40: {  	_ =	shalt  }
0x41: {  	_ =	shalt  }
0x42: {  	_ =	shalt  }
0x43: {  	_ =	shalt  }
0x44: {  	_ =	shalt  }
0x45: {  	_ =	shalt  }
0x46: {  	_ =	shalt  }
0x47: {  	_ =	shalt  }
0x48: {  	_ =	shalt  }
0x49: {  	_ =	shalt  }
0x4a: {  	_ =	shalt  }
0x4b: {  	_ =	shalt  }
0x4c: {  	_ =	shalt  }
0x4d: {  	_ =	shalt  }
0x4e: {  	_ =	shalt  }
0x4f: {  	_ =	shalt  }
0x50: {  	_ =	shalt  }
0x51: {  	_ =	shalt  }
0x52: {  	_ =	shalt  }
0x53: {  	_ =	shalt  }
0x54: {  	_ =	shalt  }
0x55: {  	_ =	shalt  }
0x56: {  	_ =	shalt  }
0x57: {  	_ =	shalt  }
0x58: {  	_ =	shalt  }
0x59: {  	_ =	shalt  }
0x5a: {  	_ =	shalt  }
0x5b: {  	_ =	shalt  }
0x5c: {  	_ =	shalt  }
0x5d: {  	_ =	shalt  }
0x5e: {  	_ =	shalt  }
0x5f: {  	_ =	shalt  }
0x60: {  	_ =	shalt  }
0x61: {  	_ =	shalt  }
0x62: {  	_ =	shalt  }
0x63: {  	_ =	shalt  }
0x64: {  	_ =	shalt  }
0x65: {  	_ =	shalt  }
0x66: {  	_ =	shalt  }
0x67: {  	_ =	shalt  }
0x68: {  	_ =	shalt  }
0x69: {  	_ =	shalt  }
0x6a: {  	_ =	shalt  }
0x6b: {  	_ =	shalt  }
0x6c: {  	_ =	shalt  }
0x6d: {  	_ =	shalt  }
0x6e: {  	_ =	shalt  }
0x6f: {  	_ =	shalt  }
0x70: {  	_ =	shalt  }
0x71: {  	_ =	shalt  }
0x72: {  	_ =	shalt  }
0x73: {  	_ =	shalt  }
0x74: {  	_ =	shalt  }
0x75: {  	_ =	shalt  }
0x76: {  	_ =	shalt  }
0x77: {  	_ =	shalt  }
0x78: {  	_ =	shalt  }
0x79: {  	_ =	shalt  }
0x7a: {  	_ =	shalt  }
0x7b: {  	_ =	shalt  }
0x7c: {  	_ =	shalt  }
0x7d: {  	_ =	shalt  }
0x7e: {  	_ =	shalt  }
0x7f: {  	_ =	shalt  }
0x80: {  	_ =	shalt  }
0x81: {  	_ =	shalt  }
0x82: {  	_ =	shalt  }
0x83: {  	_ =	shalt  }
0x84: {  	_ =	shalt  }
0x85: {  	_ =	shalt  }
0x86: {  	_ =	shalt  }
0x87: {  	_ =	shalt  }
.Lfunc_end0:
.L_simem_size_0:
called_computation.1_lowered:
.L_overlay_start_0:
0x88: {  	s2 =	sld [smem:$0x3FD9]  }
0x89: {  	s3 =	sld [smem:$0x3FFE];
	_ =	sdelay $0x1  }
0x8a: {  	s1 =	srdreg.scid  }
0x8b: {  	s0 =	sand.u32 $0x1, s1  }
0x8c: {  	s17 =	sshll.u32 s0, $0xA;
	s2 =	sadd.s32 s3, s2  }
0x8d: {  	s2 =	sadd.s32 s2, s17  }
0x8e: {  	[smem:$0x3FC5] =	sst s2  }
0x8f: {  	_ = 	snop  }
0x90: {  	s2 =	sld [smem:$0x3FD0];
	(tm) =	ssettm $0x1  }
0x91: {  	s18 =	sld [smem:$0x3FFB];
	_ =	sdelay $0x3  }
0x92: {  	_ =	strace s18  }
0x93: {  	s3 =	sld [smem:$0x3FFC];
	_ =	sdelay $0x3  }
0x94: {  	_ =	strace s3  }
0x95: {  	s3 =	sld [smem:$0x3FFD];
	_ =	sdelay $0x3  }
0x96: {  	_ =	strace s3  }
0x97: {  	_ =	strace $0x8FFFFFFF  }
0x98: {  	s19 =	sld [smem:$0x3FDB];
	_ =	sdelay $0x1  }
0x99: {  	s4 =	simm.s32 $_scs_section_size  }
0x9a: {  	s5 =	simm.s32 $_size__tile_overlayer_lowered;
	s6 =	simm.s32 $_tile_overlayer_lowered  }
0x9b: {  	s22 =	simm.s32 $0x1BFF;
	s21 =	sshll.u32 s6, $0x1;
	s3 =	sadd.s32 s4, s19  }
0x9c: {  	s7 =	simm.s32 $0x0;
	s20 =	sshll.u32 s5, $0x1;
	s5 =	sadd.s32 s21, s3  }
0x9d: {  	[timem:s7], [sflag:s22] =	dma.local [hbm:s5], s20  }
0x9e: {  	_ =	swait.ge [sflag:s22], s20  }
0x9f: {  	s4 =	ssub.s32 $0x0, s20;
	[sflag:s22] =	ssyncset.done $0x0  }
0xa0: {  	[sflag:s22] =	ssyncadd.s32 s4;
	_ =	sdelay $0x1  }
0xa1: {  	s23 =	simm.s32 $0x1B8B  }
0xa2: {  	_ =	swait.ge [sflag:s23], $0x1  }
0xa3: {  	[sflag:s23] =	ssyncset.done $0x0  }
0xa4: {  	s25 =	simm.s32 $0x1B8E;
	s24 =	sld [smem:$0x3FFE];
	[sflag:s23] =	ssyncadd.s32 $0xFFFFFFFF  }
0xa5: {  	s26 =	simm.s32 $execute0_lowered;
	[smem:$0x3FD2] =	sst s25  }
0xa6: {  	s5 =	sshll.u32 s26, $0x1;
	_ =	strace $0x80000046;
	[dreg:$0x1] =	wrdreg $0xFFFFFFFF  }
0xa7: {  	s28 =	simm.s32 $_size_execute0_lowered;
	s3 =	sadd.s32 s3, s5;
	[dreg:$0x0] =	wrdreg $0x0  }
0xa8: {  	s5 =	sshll.u32 s28, $0x1;
	[dreg:$0x2] =	wrdreg s3  }
0xa9: {  	[dreg:$0x3] =	wrdreg s5  }
0xaa: {  	[dreg:$0x4] =	wrdreg $0xC0  }
0xab: {  	_ =	task [dreg:s7], $0x5FFFF  }
0xac: {  	[dreg:$0x1] =	wrdreg $0xFFFFFFFF  }
0xad: {  	[dreg:$0x0] =	wrdreg $0x60  }
0xae: {  	[dreg:$0x2] =	wrdreg s2  }
0xaf: {  	[dreg:$0x3] =	wrdreg s24  }
0xb0: {  	[dreg:$0x4] =	wrdreg $0x9  }
0xb1: {  	_ =	task.clear_ibuf [dreg:s7], $0x5FFFF;
	_ =	strace $0x90000046  }
0xb2: {  	s29 =	simm.s32 $0x9;
	_ =	strace $0x80000048  }
0xb3: {  	_ =	swait.ge [sflag:s29], $0x1  }
0xb4: {  	[sflag:s29] =	ssyncadd.s32 $0xFFFFFFFF  }
0xb5: {  	_ =	strace $0x90000048  }
0xb6: {  	_ =	sfence  }
0xb7: {  	s30 =	sld [smem:$0x0];
	_ =	sdelay $0x2  }
0xb8: {  	s31 =	sshll.u32 s1, $0xD;
	s1 =	sshrl.u32 s1, $0x2  }
0xb9: {  	s3 =	sand.u32 $0x4000, s31;
	s1 =	sadd.s32 s1, s30  }
0xba: {  	s0 =	sor.u32 s3, s0;
	s1 =	sshll.u32 s1, $0x11  }
0xbb: {  	s0 =	sor.u32 s1, s0  }
0xbc: {  	s0 =	sadd.s32 $0x8F2B, s0  }
0xbd: {  	[sflag:s0] =	ssyncadd.remote.s32 $0x1  }
0xbe: {  	_ =	sfence.sel $0xFFFF  }
0xbf: {  	[dreg:$0x0] =	wrdreg $0xFFFFFFFF;
	(pc) =	sbr.abs _section_cstart, $3  }
0xc0: {  	[dreg:$0x1] =	wrdreg $0xFFFFFFFF  }
0xc1: {  	_ =	task.clear_ibuf [dreg:s7], $0x2FFFF;
	_ =	strace $0x9FFFFFFF  }
0xc2: {  	(tm) =	ssettm $0x7FFFFFFF  }
0xc3: {  	_ =	shalt  }
tec
execute0_lowered:
.L_overlay_start_1:
0x0: {  	(tag) =	ssettag $0x1  }
0x1: {  	s0 =	rddreg [dreg:$0x0]  }
0x2: {  	s1 =	srdreg.scid;
	s12 =	stileid.u32  }
0x3: {  	s4 =	rddreg [dreg:$0x1];
	s2 =	simm.s32 $0x0;
	s28 =	simm.s32 $0x5  }
0x4: {  	s29 =	simm.s32 $0xA;
	s30 =	simm.s32 $0xC200;
	s7 =	smul.u32 $0x640000, s12  }
0x5: {  	s1 =	sand.u32 $0x1, s1;
	s3 =	sshll.u32 s12, $0x1;
	s13 =	smul.u32 $0xC800, s12  }
0x6: {  	s31 =	simm.s32 $0x8;
	s23 =	smul.u32 $0xC8000, s12;
	s3 =	sor.u32 s1, s3  }
0x7: {  	[smem:$0x7FF] =	sst s2;
	s6 =	ssub.s32 $0x2, s1;
	s5 =	smul.u32 $0x6400, s3  }
0x8: {  	_ =	strace $0x80000047;
	s26 =	smul.u32 $0x320000, s1;
	s8 =	sshrl.u32 s6, $0x1  }
0x9: {  	s3 =	sadd.s32 $0xF42E00, s4;
	s6 =	ssub.s32 s6, s8;
	s5 =	sshrl.u32 s5, $0x3  }
0xa: {  	s4 =	sadd.s32 $0xA00, s4;
	s6 =	smax.u32 s6, $0x1;
	s9 =	sadd.s32 s0, s5  }
0xb: {  	s5 =	sadd.s32 s26, s7;
	[dreg:$0x7] =	wrdreg s6;
	s6 =	simm.s32 $0xC  }
0xc: {  	s10 =	sadd.s32 $0x10, s9;
	s11 =	sadd.s32 $0x20, s9;
	[dreg:$0x3] =	wrdreg s9  }
0xd: {  	s14 =	sadd.s32 $0x30, s9;
	s15 =	sor.u32 $0xC000, s5;
	[dreg:$0x4] =	wrdreg s10  }
0xe: {  	s17 =	sor.u32 $0x8000, s5;
	s5 =	sshrl.u32 s5, $0x3;
	[dreg:$0x5] =	wrdreg s11  }
0xf: {  	[dreg:$0x6] =	wrdreg s14;
	s10 =	smul.u32 $0x6400, s1;
	s16 =	sshrl.u32 s15, $0x3  }
0x10: {  	s18 =	sshrl.u32 s17, $0x3;
	s11 =	sadd.s32 s5, s4;
	s1 =	smul.u32 $0x64000, s1  }
0x11: {  	s17 =	simm.s32 $0x4080;
	s9 =	sadd.s32 s16, s4;
	s7 =	sadd.s32 s10, s13  }
0x12: {  	s10 =	sadd.s32 s18, s4;
	s4 =	sadd.s32 s23, s4;
	s18 =	simm.s32 $0x8100  }
0x13: {  	s23 =	simm.s32 $0x4100;
	s19 =	sor.u32 $0x380, s7;
	s21 =	sor.u32 $0x300, s7  }
0x14: {  	s24 =	sor.u32 $0x280, s7;
	s25 =	sor.u32 $0x200, s7;
	s1 =	sadd.s32 s1, s4  }
0x15: {  	s7 =	simm.s32 $0x0;
	s20 =	sshrl.u32 s19, $0x3;
	s22 =	sshrl.u32 s21, $0x3  }
0x16: {  	s26 =	sshrl.u32 s25, $0x3;
	s15 =	sadd.s32 $0x800, s1;
	s19 =	simm.s32 $0xC180  }
0x17: {  	s21 =	simm.s32 $0x80;
	s25 =	simm.s32 $0x7;
	s5 =	sadd.s32 s20, s0  }
.Ltmp0:
0x18: {  	[dreg:$0x8] =	wrdreg s5;
	s5 =	sadd.s32 s22, s0;
	(pc) =	sbr.rel .LBB2_1-.Ltmp0, $4  }
0x19: {  	s1 =	simm.s32 $0xB;
	[dreg:$0x9] =	wrdreg s5;
	s5 =	sshrl.u32 s24, $0x3  }
0x1a: {  	s22 =	simm.s32 $0x4;
	s24 =	simm.s32 $0x2;
	s5 =	sadd.s32 s5, s0  }
0x1b: {  	s0 =	sadd.s32 s26, s0;
	s26 =	simm.s32 $0x8180;
	[dreg:$0xa] =	wrdreg s5  }
0x1c: {  	[dreg:$0xb] =	wrdreg s0;
	s0 =	simm.s32 $0x6;
	s5 =	simm.s32 $0x9  }
.LBB2_7:
0x1d: {  	_ =	swait.ge [sflag:s0], $0x4000  }
0x1e: {  	[sflag:s0] =	ssyncset.done $0x0  }
0x1f: {  	[sflag:s0] =	ssyncadd.s32 $0xFFFFC000  }
0x20: {  	_ =	swait.ge [sflag:s5], $0x4000  }
0x21: {  	[sflag:s5] =	ssyncset.done $0x0  }
0x22: {  	[sflag:s5] =	ssyncadd.s32 $0xFFFFC000  }
0x23: {  	_ =	swait.ge [sflag:s6], $0x4000  }
0x24: {  	s7 =	sadd.s32 $0x1, s7;
	s4 =	rddreg [dreg:$0x7]  }
0x25: {  	p0 =	sne.s32 s7, s4  }
.Ltmp1:
0x26: {  	_ = 	snop;
	(pc) =	sbr.rel @!p0 .LBB2_8-.Ltmp1, $3  }
0x27: {  	_ =	sdelay $0x1  }
0x28: {  	[sflag:s6] =	ssyncset.done $0x0  }
0x29: {  	[sflag:s6] =	ssyncadd.s32 $0xFFFFC000  }
.LBB2_1:
0x2a: {  	s4 =	rddreg [dreg:$0x3]  }
0x2b: {  	[tilespmem:s2], [sflag:$0x1] =	stream.linear.gather [hbm4b:s4+s2], $0x80, $0x38;
	[tilespmem:$0x10200] =	vst v63  }
0x2c: {  	s13 =	rddreg [dreg:$0x4]  }
0x2d: {  	[tilespmem:s17], [sflag:$0x4] =	stream.linear.gather [hbm4b:s13+s2], $0x80, $0x38;
	[tilespmem:$0x10200] =	vst v63  }
0x2e: {  	s14 =	rddreg [dreg:$0x5]  }
0x2f: {  	[tilespmem:s18], [sflag:$0x7] =	stream.linear.gather [hbm4b:s14+s2], $0x80, $0x38;
	[tilespmem:$0x10200] =	vst v63  }
0x30: {  	s16 =	rddreg [dreg:$0x6];
	s20 =	simm.s32 $0x1  }
0x31: {  	[tilespmem:s19], [sflag:$0xA] =	stream.linear.gather [hbm4b:s16+s2], $0x80, $0x38;
	[tilespmem:$0x10200] =	vst v63  }
0x32: {  	_ =	swait.ge [sflag:s20], $0x80  }
0x33: {  	[sflag:s20] =	ssyncset.done $0x0  }
0x34: {  	[sflag:s20] =	ssyncadd.s32 $0xFFFFFF80  }
0x35: {  	[tilespmem:s21], [sflag:$0x2] =	stream.indirect.gather [hbm4b:s3+s21], $0x80, s2, s21, $0xb8;
	[tilespmem:$0x10200] =	vst v63  }
0x36: {  	_ =	swait.ge [sflag:s22], $0x80  }
0x37: {  	s16 =	rddreg [dreg:$0xb]  }
0x38: {  	s14 =	rddreg [dreg:$0xa]  }
0x39: {  	[sflag:s22] =	ssyncset.done $0x0;
	s13 =	rddreg [dreg:$0x9]  }
0x3a: {  	s4 =	simm.s32 $0x0;
	s12 =	rddreg [dreg:$0x8];
	[sflag:s22] =	ssyncadd.s32 $0xFFFFFF80  }
0x3b: {  	[tilespmem:s23], [sflag:$0x5] =	stream.indirect.gather [hbm4b:s3+s21], $0x80, s17, s21, $0xb8;
	[tilespmem:$0x10200] =	vst v63  }
.LBB2_2:
0x3c: {  	p0 =	seq.s32 s4, $0x62000  }
0x3d: {  	p1 =	seq.s32 @!p0 s4, $0x0  }
0x3e: {  	_ =	swait.ge [sflag:s24], $0x4000;
	p1 =	por p0, !p1  }
.Ltmp2:
0x3f: {  	[sflag:s24] =	ssyncset.done $0x0;
	(pc) =	sbr.rel @!p1 .LBB2_3-.Ltmp2, $4  }
0x40: {  	s8 =	sadd.s32 s4, s11;
	[sflag:s24] =	ssyncadd.s32 $0xFFFFC000  }
0x41: {  	[hbm4b:s8+s2] =	stream.linear.scatter [tilespmem:s21], [sflag:$0x3], $0x4000, $0x38;
	[tilespmem:$0x10200] =	vst v63  }
0x42: {  	s8 =	simm.s32 @!p0 $0x0  }
0x43: {  	[tilespmem:s8], [sflag:$0x1] =	stream.linear.gather @!p0 [hbm4b:s16+s8], $0x80, $0x38;
	[tilespmem:$0x10200] =	vst v63  }
.Ltmp3:
0x44: {  	(pc) =	sbr.rel .LBB2_5-.Ltmp3, $4  }
0x45: {  	_ = 	snop  }
0x46: {  	_ =	swait.ge [sflag:s5], $0x4000  }
0x47: {  	[sflag:s5] =	ssyncset.done $0x0  }
0x48: {  	p1 =	por $0x0, $0x0;
	[sflag:s5] =	ssyncadd.s32 $0xFFFFC000  }
.LBB2_3:
0x49: {  	p1 =	por @!p0 $0x1, $0x1  }
.LBB2_5:
0x4a: {  	_ =	swait.ge [sflag:s25], $0x80  }
0x4b: {  	[sflag:s25] =	ssyncset.done $0x0  }
0x4c: {  	[sflag:s25] =	ssyncadd.s32 $0xFFFFFF80  }
0x4d: {  	[tilespmem:s26], [sflag:$0x8] =	stream.indirect.gather [hbm4b:s3+s21], $0x80, s18, s21, $0xb8;
	[tilespmem:$0x10200] =	vst v63  }
0x4e: {  	_ =	swait.ge [sflag:s28], $0x4000  }
0x4f: {  	[sflag:s28] =	ssyncset.done $0x0  }
0x50: {  	s20 =	sadd.s32 s4, s15;
	[sflag:s28] =	ssyncadd.s32 $0xFFFFC000  }
0x51: {  	[hbm4b:s20+s2] =	stream.linear.scatter [tilespmem:s23], [sflag:$0x6], $0x4000, $0x38;
	[tilespmem:$0x10200] =	vst v63  }
0x52: {  	s20 =	simm.s32 @!p0 $0x4080  }
0x53: {  	[tilespmem:s20], [sflag:$0x4] =	stream.linear.gather @!p0 [hbm4b:s14+s8], $0x80, $0x38;
	[tilespmem:$0x10200] =	vst v63  }
0x54: {  	s8 =	simm.s32 @!p1 $0xC  }
0x55: {  	_ =	swait.ge @!p1 [sflag:s8], $0x4000  }
0x56: {  	[sflag:s8] =	ssyncset.done @!p1 $0x0  }
0x57: {  	[sflag:s8] =	ssyncadd.s32 @!p1 $0xFFFFC000  }
0x58: {  	_ =	swait.ge [sflag:s29], $0x80  }
0x59: {  	[sflag:s29] =	ssyncset.done $0x0  }
0x5a: {  	[sflag:s29] =	ssyncadd.s32 $0xFFFFFF80  }
0x5b: {  	[tilespmem:s30], [sflag:$0xB] =	stream.indirect.gather [hbm4b:s3+s21], $0x80, s19, s21, $0xb8;
	[tilespmem:$0x10200] =	vst v63  }
0x5c: {  	_ =	swait.ge [sflag:s31], $0x4000  }
0x5d: {  	[sflag:s31] =	ssyncset.done $0x0  }
0x5e: {  	s20 =	sadd.s32 s4, s10;
	p1 =	sne.s32 s4, $0x62000;
	[sflag:s31] =	ssyncadd.s32 $0xFFFFC000  }
0x5f: {  	[hbm4b:s20+s2] =	stream.linear.scatter [tilespmem:s26], [sflag:$0x9], $0x4000, $0x38;
	[tilespmem:$0x10200] =	vst v63  }
0x60: {  	s8 =	simm.s32 @p1 $0x0;
	s20 =	simm.s32 @p1 $0x8100  }
0x61: {  	[tilespmem:s20], [sflag:$0x7] =	stream.linear.gather @p1 [hbm4b:s13+s8], $0x80, $0x38;
	[tilespmem:$0x10200] =	vst v63  }
0x62: {  	s20 =	simm.s32 @p1 $0x3  }
0x63: {  	_ =	swait.ge @p1 [sflag:s20], $0x4000  }
0x64: {  	[sflag:s20] =	ssyncset.done @p1 $0x0  }
0x65: {  	[sflag:s20] =	ssyncadd.s32 @p1 $0xFFFFC000;
	s20 =	simm.s32 @p1 $0x1  }
0x66: {  	_ =	swait.ge @p1 [sflag:s20], $0x80  }
0x67: {  	[sflag:s20] =	ssyncset.done @p1 $0x0  }
0x68: {  	[sflag:s20] =	ssyncadd.s32 @p1 $0xFFFFFF80;
	s20 =	simm.s32 @p1 $0x80  }
0x69: {  	[tilespmem:s20], [sflag:$0x2] =	stream.indirect.gather @p1 [hbm4b:s3+s20], $0x80, s8, s20, $0xb8;
	[tilespmem:$0x10200] =	vst v63  }
0x6a: {  	s8 =	simm.s32 @!p1 $0x3  }
0x6b: {  	_ =	swait.ge @!p1 [sflag:s8], $0x4000  }
0x6c: {  	[sflag:s8] =	ssyncset.done @!p1 $0x0  }
.Ltmp4:
0x6d: {  	[sflag:s8] =	ssyncadd.s32 @!p1 $0xFFFFC000;
	(pc) =	sbr.rel @p0 .LBB2_7-.Ltmp4, $4  }
0x6e: {  	_ =	swait.ge [sflag:s1], $0x4000  }
0x6f: {  	[sflag:s1] =	ssyncset.done $0x0  }
0x70: {  	s20 =	sadd.s32 s4, s9;
	[sflag:s1] =	ssyncadd.s32 $0xFFFFC000  }
0x71: {  	[hbm4b:s20+s2] =	stream.linear.scatter [tilespmem:s30], [sflag:$0xC], $0x4000, $0x38;
	[tilespmem:$0x10200] =	vst v63  }
0x72: {  	[tilespmem:s19], [sflag:$0xA] =	stream.linear.gather [hbm4b:s12+s2], $0x80, $0x38;
	[tilespmem:$0x10200] =	vst v63  }
0x73: {  	_ =	swait.ge [sflag:s0], $0x4000  }
0x74: {  	[sflag:s0] =	ssyncset.done $0x0  }
.Ltmp5:
0x75: {  	[sflag:s0] =	ssyncadd.s32 $0xFFFFC000;
	(pc) =	sbr.rel .LBB2_2-.Ltmp5, $4  }
0x76: {  	s4 =	sadd.s32 $0x2000, s4;
	_ =	swait.ge [sflag:s22], $0x80  }
0x77: {  	s12 =	sadd.s32 $0x40, s12;
	s13 =	sadd.s32 $0x40, s13;
	[sflag:s22] =	ssyncset.done $0x0  }
0x78: {  	s14 =	sadd.s32 $0x40, s14;
	s16 =	sadd.s32 $0x40, s16;
	[sflag:s22] =	ssyncadd.s32 $0xFFFFFF80  }
0x79: {  	[tilespmem:s23], [sflag:$0x5] =	stream.indirect.gather [hbm4b:s3+s21], $0x80, s17, s21, $0xb8;
	[tilespmem:$0x10200] =	vst v63  }
.LBB2_8:
0x7a: {  	_ =	sfence.sel $0x180000  }
0x7b: {  	[bflag:$0x0] =	sbarrier.arrive $0xFFFF  }
0x7c: {  	_ =	strace $0x90000047  }
0x7d: {  	s0 =	stileid.u32;
	[bflag:$0x2] =	sbarrier.arrive $0xFFFF  }
0x7e: {  	p0 =	sne.s32 s0, $0x0;
	s0 =	rddreg [dreg:$0x2]  }
0x7f: {  	s0 =	sadd.s32 @!p0 $0x100000, s0  }
0x80: {  	[sflag:s0] =	ssyncadd.tile.s32 @!p0 $0x1;
	_ =	shalt  }
.Lfunc_end2:
_tile_overlayer_lowered:
.L_overlay_start_2:
0x81: {  	(tag) =	ssettag $0x2  }
0x82: {  	s0 =	rddreg [dreg:$0x0];
	s2 =	stileid.u32  }
0x83: {  	s1 =	rddreg [dreg:$0x1];
	p0 =	sne.s32 s2, $0x0  }
0x84: {  	s3 =	rddreg [dreg:$0x2];
	[bflag:$0x3] =	sbarrier.arrive $0xFFFF;
	s2 =	simm.s32 @!p0 $0x1C0D  }
0x85: {  	[timem:s3], [sflag:s2] =	dma.local @!p0 [hbm:s0], s1  }
0x86: {  	s0 =	simm.s32 @!p0 $0xD  }
0x87: {  	_ =	swait.ge @!p0 [sflag:s0], s1  }
0x88: {  	s1 =	ssub.s32 @!p0 $0x0, s1;
	[sflag:s0] =	ssyncset.done @!p0 $0x0  }
0x89: {  	[sflag:s0] =	ssyncadd.s32 @!p0 s1  }
0x8a: {  	[bflag:$0x3] =	sbarrier.arrive $0xFFFF  }
0x8b: {  	_ =	shalt  }

// kernel: sparse-core-data-format-call.cloned.1.call-start
scs
called_computation_lowered:
.L_overlay_start_0:
0x0: {  	s2 =	sld [smem:$0x3FD9]  }
0x1: {  	s3 =	sld [smem:$0x3FFE];
	_ =	sdelay $0x1  }
0x2: {  	s1 =	srdreg.scid  }
0x3: {  	s0 =	sand.u32 $0x1, s1  }
0x4: {  	s18 =	sshll.u32 s0, $0xA;
	s2 =	sadd.s32 s3, s2  }
0x5: {  	s2 =	sadd.s32 s2, s18  }
0x6: {  	[smem:$0x3FC5] =	sst s2  }
0x7: {  	_ = 	snop  }
0x8: {  	s2 =	sld [smem:$0x3FD0];
	(tm) =	ssettm $0x1  }
0x9: {  	s19 =	sld [smem:$0x3FFB];
	_ =	sdelay $0x3  }
0xa: {  	_ =	strace s19  }
0xb: {  	s3 =	sld [smem:$0x3FFC];
	_ =	sdelay $0x3  }
0xc: {  	_ =	strace s3  }
0xd: {  	s3 =	sld [smem:$0x3FFD];
	_ =	sdelay $0x3  }
0xe: {  	_ =	strace s3  }
0xf: {  	_ =	strace $0x8FFFFFFF  }
0x10: {  	s20 =	sld [smem:$0x3FDB];
	_ =	sdelay $0x1  }
0x11: {  	s4 =	simm.s32 $_scs_section_size  }
0x12: {  	s5 =	simm.s32 $_size__tile_overlayer_lowered;
	s6 =	simm.s32 $_tile_overlayer_lowered  }
0x13: {  	s23 =	simm.s32 $0x1BFF;
	s22 =	sshll.u32 s6, $0x1;
	s3 =	sadd.s32 s4, s20  }
0x14: {  	s7 =	simm.s32 $0x0;
	s21 =	sshll.u32 s5, $0x1;
	s5 =	sadd.s32 s22, s3  }
0x15: {  	[timem:s7], [sflag:s23] =	dma.local [hbm:s5], s21  }
0x16: {  	_ =	swait.ge [sflag:s23], s21  }
0x17: {  	s4 =	ssub.s32 $0x0, s21;
	[sflag:s23] =	ssyncset.done $0x0  }
0x18: {  	[sflag:s23] =	ssyncadd.s32 s4;
	_ =	sdelay $0x1  }
0x19: {  	s24 =	simm.s32 $0x1B8B  }
0x1a: {  	_ =	swait.ge [sflag:s24], $0x1  }
0x1b: {  	[sflag:s24] =	ssyncset.done $0x0  }
0x1c: {  	s26 =	simm.s32 $0x1B8E;
	s25 =	sld [smem:$0x3FFE];
	[sflag:s24] =	ssyncadd.s32 $0xFFFFFFFF  }
0x1d: {  	s27 =	simm.s32 $execute0_lowered;
	[smem:$0x3FD2] =	sst s26  }
0x1e: {  	s5 =	sshll.u32 s27, $0x1;
	_ =	strace $0x80000049;
	[dreg:$0x1] =	wrdreg $0xFFFFFFFF  }
0x1f: {  	s28 =	simm.s32 $_size_execute0_lowered;
	s3 =	sadd.s32 s3, s5;
	[dreg:$0x0] =	wrdreg $0x0  }
0x20: {  	s5 =	sshll.u32 s28, $0x1;
	[dreg:$0x2] =	wrdreg s3  }
0x21: {  	[dreg:$0x3] =	wrdreg s5  }
0x22: {  	[dreg:$0x4] =	wrdreg $0xC0  }
0x23: {  	_ =	task [dreg:s7], $0x5FFFF  }
0x24: {  	[dreg:$0x1] =	wrdreg $0xFFFFFFFF  }
0x25: {  	[dreg:$0x0] =	wrdreg $0x60  }
0x26: {  	[dreg:$0x2] =	wrdreg s25  }
0x27: {  	[dreg:$0x3] =	wrdreg s2  }
0x28: {  	[dreg:$0x4] =	wrdreg $0x9  }
0x29: {  	_ =	task.clear_ibuf [dreg:s7], $0x5FFFF;
	_ =	strace $0x90000049  }
0x2a: {  	s29 =	simm.s32 $0x9;
	_ =	strace $0x8000004B  }
0x2b: {  	_ =	swait.ge [sflag:s29], $0x1  }
0x2c: {  	[sflag:s29] =	ssyncadd.s32 $0xFFFFFFFF  }
0x2d: {  	_ =	strace $0x9000004B  }
0x2e: {  	_ =	sfence  }
0x2f: {  	s30 =	sld [smem:$0x0];
	_ =	sdelay $0x2  }
0x30: {  	s31 =	sshll.u32 s1, $0xD;
	s1 =	sshrl.u32 s1, $0x2  }
0x31: {  	s3 =	sand.u32 $0x4000, s31;
	s1 =	sadd.s32 s1, s30  }
0x32: {  	s0 =	sor.u32 s3, s0;
	s1 =	sshll.u32 s1, $0x11  }
0x33: {  	s0 =	sor.u32 s1, s0  }
0x34: {  	s0 =	sadd.s32 $0x8F2B, s0  }
0x35: {  	[sflag:s0] =	ssyncadd.remote.s32 $0x1  }
0x36: {  	_ =	sfence.sel $0xFFFF  }
0x37: {  	[dreg:$0x0] =	wrdreg $0xFFFFFFFF;
	(pc) =	sbr.abs _section_cstart, $3  }
0x38: {  	[dreg:$0x1] =	wrdreg $0xFFFFFFFF  }
0x39: {  	_ =	task.clear_ibuf [dreg:s7], $0x2FFFF;
	_ =	strace $0x9FFFFFFF  }
0x3a: {  	(tm) =	ssettm $0x7FFFFFFF  }
0x3b: {  	_ =	shalt  }
tec
execute0_lowered:
.L_overlay_start_1:
0x0: {  	(tag) =	ssettag $0x1  }
0x1: {  	s0 =	srdreg.scid  }
0x2: {  	s1 =	sshll.u32 s0, $0x4  }
0x3: {  	s0 =	stileid.u32;
	s1 =	sand.u32 $0x10, s1  }
0x4: {  	s1 =	sor.u32 s0, s1  }
0x5: {  	s6 =	rddreg [dreg:$0x0];
	s4 =	simm.s32 $0x1;
	s2 =	sshll.u32 s1, $0x7  }
0x6: {  	s7 =	simm.s32 $0x2;
	s12 =	simm.s32 $0x0;
	s1 =	ssub.s32 $0x1000, s2  }
0x7: {  	s8 =	simm.s32 $0x8000;
	s13 =	simm.s32 $0x0;
	s3 =	sand.u32 $0xF80, s1  }
0x8: {  	s9 =	simm.s32 $0x0;
	s5 =	sshrl.u32 s1, $0xC;
	p0 =	sne.s32 s3, $0x0  }
.Ltmp0:
0x9: {  	s1 =	rddreg [dreg:$0x2];
	s4 =	simm.s32 @!p0 $0x0;
	(pc) =	sbr.rel .LBB1_1-.Ltmp0, $4  }
0xa: {  	s11 =	simm.s32 $0x0;
	s3 =	rddreg [dreg:$0x1];
	s5 =	sadd.s32 s4, s5  }
0xb: {  	_ =	strace $0x8000004A;
	s4 =	simm.s32 $0x1;
	s5 =	smul.u32 $0xC8, s5  }
0xc: {  	s6 =	sadd.s32 $0xA00, s6;
	s10 =	smov.u32 s2;
	[sflag:s4] =	ssyncpa.u1 $0x0  }
0xd: {  	p0 =	por $0x0, $0x0;
	[sflag:s7] =	ssyncpa.u1 $0x0;
	s7 =	sor.u32 $0x1, s5  }
.LBB1_4:
0xe: {  	s16 =	sshll.u32 s13, $0x3;
	s17 =	sand.u32 $0x78, s13  }
0xf: {  	s30 =	sand.u32 $0x7E00, s13;
	s12 =	sshll.u32 s12, $0xF;
	s16 =	sand.u32 $0xC00, s16  }
0x10: {  	[tilespmem:s15+$0x810 ss:$0x81] =	vst.msk $0xffff, v2;
	s31 =	sand.u32 $0x7, s13;
	s16 =	sor.u32 s17, s16;
	s17 =	sadd.s32 s3, s30  }
0x11: {  	[tilespmem:s15+$0x1020 ss:$0x81] =	vst.msk $0xffff, v0;
	s13 =	sshll.u32 s31, $0x12;
	s12 =	sadd.s32 s12, s17;
	s16 =	sshrl.u32 s16, $0x3  }
0x12: {  	[tilespmem:s15+$0x0 ss:$0x81] =	vst.msk $0xffff, v1;
	s13 =	sor.u32 $0x400, s13;
	s12 =	sadd.s32 s16, s12  }
0x13: {  	[hbm4b:s12+s13] =	stream.strided.scatter [tilespmem:s14], [sflag:$0x2], $0x2000, s8, s13, $0x20;
	[tilespmem:$0x8080] =	vst v63  }
.LBB1_5:
0x14: {  	s14 =	sadd.s32 $0x1, s9  }
0x15: {  	s12 =	sadd.s32 $0x1000, s10;
	s16 =	smov.u32 s10;
	p2 =	sgt.s32 s14, $0xC7  }
0x16: {  	s16 =	smov.u32 @p2 s12  }
0x17: {  	s14 =	simm.s32 @p2 $0x0;
	p2 =	sgt.s32 s16, $0xFFF  }
0x18: {  	s16 =	smov.u32 @p2 s2;
	p2 =	sne.s32 s11, s7  }
.Ltmp1:
0x19: {  	p1 =	slt.u32 s11, $0x2;
	(pc) =	sbr.rel @!p2 .LBB1_6-.Ltmp1, $4  }
0x1a: {  	s15 =	simm.s32 @!p1 $0x2  }
0x1b: {  	s13 =	smov.u32 s10;
	p0 =	por !p0, !p0;
	_ =	swait.ge @!p1 [sflag:s15], $0x2000  }
0x1c: {  	s12 =	smov.u32 s9;
	[sflag:s15] =	ssyncset.done @!p1 $0x0;
	s9 =	smov.u32 s14  }
0x1d: {  	s11 =	sadd.s32 $0x1, s11;
	[sflag:s15] =	ssyncadd.s32 @!p1 $0xFFFFE000;
	s10 =	smov.u32 s16  }
.LBB1_1:
0x1e: {  	p1 =	sge.u32 s11, s5  }
0x1f: {  	s14 =	sand.u32 @!p1 $0x1FFFFFF, s9  }
0x20: {  	s15 =	smulhi.u32 @!p1 $0x147AE15, s14;
	_ =	sdelay $0x1  }
0x21: {  	s15 =	smul.u32 @!p1 $0xC8, s15  }
0x22: {  	s16 =	sxor.u32 @!p1 $0xFFFFFFFF, s11;
	s17 =	smul.u32 @!p1 $0xC80, s10  }
0x23: {  	s31 =	sadd.s32 $0xFFFFFFFF, s11;
	s16 =	sshll.u32 @!p1 s16, $0xD;
	s14 =	ssub.s32 @!p1 s14, s15  }
0x24: {  	s15 =	sand.u32 @!p1 $0x2000, s16;
	s16 =	sadd.s32 @!p1 s6, s17;
	s14 =	sshll.u32 @!p1 s14, $0x4  }
0x25: {  	s17 =	simm.s32 @!p1 $0x6400;
	s14 =	sadd.s32 @!p1 s14, s16;
	s16 =	simm.s32 @!p1 $0x40  }
0x26: {  	[tilespmem:s15], [sflag:$0x1] =	stream.strided.gather @!p1 [hbm4b:s14+s16], $0x2000, s17, s16, $0x38;
	[tilespmem:$0x8080] =	vst v63  }
0x27: {  	p1 =	sge.u32 s31, s5  }
.Ltmp2:
0x28: {  	_ = 	snop;
	(pc) =	sbr.rel @p1 .LBB1_5-.Ltmp2, $1  }
0x29: {  	_ =	sdelay $0x3  }
0x2a: {  	s14 =	simm.s32 $0x1  }
0x2b: {  	_ =	swait.ge [sflag:s4], $0x2000;
	s14 =	simm.s32 @!p0 $0x0  }
0x2c: {  	[sflag:s4] =	ssyncset.done $0x0;
	s15 =	sshll.u32 s14, $0xD  }
0x2d: {  	[sflag:s4] =	ssyncadd.s32 $0xFFFFE000;
	s18 =	sor.u32 $0x20, s15  }
0x2e: {  	s14 =	smul.u32 $0x8100, s14;
	v3 =	vld [tilespmem:s18+$0x10]  }
0x2f: {  	s30 =	sand.u32 $0x1, s11;
	v2 =	vld [tilespmem:s18+$0xFFFFFFF0]  }
0x30: {  	s15 =	smul.u32 $0x8100, s30;
	s14 =	sshrl.u32 s14, $0x2;
	v0 =	vld [tilespmem:s18+$0x0]  }
0x31: {  	v1 =	vld [tilespmem:s18+$0xFFFFFFE0];
	s16 =	sor.u32 $0x4000, s14  }
0x32: {  	s31 =	sshrl.u32 s15, $0x2;
	s15 =	sadd.s32 $0x0, s16  }
0x33: {  	s17 =	simm.s32 $0x4;
	s18 =	sadd.s32 $0x40, s18;
	s14 =	sor.u32 $0x4000, s31;
	[tilespmem:s15+$0x1830 ss:$0x81] =	vst.msk $0xffff, v3  }
.LBB1_3:
0x34: {  	v3 =	vld [tilespmem:s18+$0x10];
	p1 =	sne.s32 s17, $0x1FC;
	[tilespmem:s15+$0x810 ss:$0x81] =	vst.msk $0xffff, v2;
	s19 =	smov.u32 s17;
	s17 =	sadd.s32 $0x4, s17  }
.Ltmp3:
0x35: {  	v2 =	vld [tilespmem:s18+$0xFFFFFFF0];
	[tilespmem:s15+$0x1020 ss:$0x81] =	vst.msk $0xffff, v0;
	(pc) =	sbr.rel @p1 .LBB1_3-.Ltmp3, $4  }
0x36: {  	v0 =	vld [tilespmem:s18+$0x0];
	[tilespmem:s15+$0x0 ss:$0x81] =	vst.msk $0xffff, v1  }
0x37: {  	s15 =	sshra.s32 s19, $0x2;
	v1 =	vld [tilespmem:s18+$0xFFFFFFE0]  }
0x38: {  	s15 =	sadd.s32 s15, s16  }
0x39: {  	s18 =	sadd.s32 $0x40, s18;
	[tilespmem:s15+$0x1830 ss:$0x81] =	vst.msk $0xffff, v3  }
.Ltmp4:
0x3a: {  	_ = 	snop;
	(pc) =	sbr.rel .LBB1_4-.Ltmp4, $1  }
0x3b: {  	_ =	sdelay $0x3  }
.LBB1_6:
0x3c: {  	_ =	sfence.sel $0x180000  }
0x3d: {  	s2 =	simm.s32 $0x1;
	[bflag:$0x0] =	sbarrier.arrive $0xFFFF  }
0x3e: {  	s31 =	simm.s32 $0x2;
	[sflag:s2] =	ssyncpa.u1 $0x1  }
0x3f: {  	[sflag:s31] =	ssyncpa.u1 $0x1  }
0x40: {  	p0 =	sne.s32 s0, $0x0;
	_ =	strace $0x9000004A  }
0x41: {  	s0 =	sadd.s32 @!p0 $0x100000, s1;
	[bflag:$0x2] =	sbarrier.arrive $0xFFFF  }
0x42: {  	[sflag:s0] =	ssyncadd.tile.s32 @!p0 $0x1;
	_ =	shalt  }
.Lfunc_end1:
_tile_overlayer_lowered:
.L_overlay_start_2:
0x43: {  	(tag) =	ssettag $0x2  }
0x44: {  	s0 =	rddreg [dreg:$0x0];
	s2 =	stileid.u32  }
0x45: {  	s1 =	rddreg [dreg:$0x1];
	p0 =	sne.s32 s2, $0x0  }
0x46: {  	s3 =	rddreg [dreg:$0x2];
	[bflag:$0x3] =	sbarrier.arrive $0xFFFF;
	s2 =	simm.s32 @!p0 $0x1C01  }
0x47: {  	[timem:s3], [sflag:s2] =	dma.local @!p0 [hbm:s0], s1  }
0x48: {  	s0 =	simm.s32 @!p0 $0x1  }
0x49: {  	_ =	swait.ge @!p0 [sflag:s0], s1  }
0x4a: {  	s1 =	ssub.s32 @!p0 $0x0, s1;
	[sflag:s0] =	ssyncset.done @!p0 $0x0  }
0x4b: {  	[sflag:s0] =	ssyncadd.s32 @!p0 s1  }
0x4c: {  	[bflag:$0x3] =	sbarrier.arrive $0xFFFF  }
0x4d: {  	_ =	shalt  }

</sc_bundles>
